<compile_context>
chip_gen: v7x
topology: tpu7x:2x2x1
jax: 0.10.2.dev20260603
libtpu: 0.0.44.dev20260713+nightly
codegen_flags: <defaults>
</compile_context>

<pallas_src>
import functools

import jax
import jax.numpy as jnp
from jax import lax
from jax.experimental import pallas as pl
from jax.experimental.pallas import tpu as pltpu
from jax.experimental.pallas import tpu_sc as plsc

C, H, W = 3, 4096, 4096
N_SITES = 1228
PAD_SITES = 1280
BH = 512


def _sc_mask_body(sites_hbm, mask_hbm, idx_v, mask_v):
    cid = lax.axis_index("c")
    sid = lax.axis_index("s")

    @pl.when((cid == 0) & (sid == 0))
    def _():
        pltpu.sync_copy(sites_hbm, idx_v)
        zeros16 = jnp.zeros((16,), jnp.float32)

        def zero_body(i, carry):
            mask_v[pl.ds(i * 16, 16)] = zeros16
            return carry

        lax.fori_loop(0, W // 16, zero_body, 0)
        ones16 = jnp.ones((16,), jnp.float32)

        def scatter_body(i, carry):
            idx = idx_v[pl.ds(i * 16, 16)]
            plsc.store_scatter(mask_v, [idx], ones16, mask=idx < W)
            return carry

        lax.fori_loop(0, PAD_SITES // 16, scatter_body, 0)
        pltpu.sync_copy(mask_v, mask_hbm)


_sc_mask = functools.partial(
    pl.kernel,
    out_type=jax.ShapeDtypeStruct((W,), jnp.float32),
    mesh=plsc.VectorSubcoreMesh(core_axis_name="c", subcore_axis_name="s"),
    scratch_types=[
        pltpu.VMEM((PAD_SITES,), jnp.int32),
        pltpu.VMEM((W,), jnp.float32),
    ],
    compiler_params=pltpu.CompilerParams(needs_layout_passes=False),
)(_sc_mask_body)


def _copy12_kernel(x_ref, out_ref):
    out_ref[...] = x_ref[...]


def _flip0_kernel(prev_ref, mask_ref, x_ref, out_ref):
    del prev_ref
    xb = x_ref[...]
    m = mask_ref[...].reshape(1, 1, W)
    out_ref[...] = jnp.where(m > 0.0, 1.0 - xb, xb)


@jax.jit
def kernel(x, mask_sites):
    sites = mask_sites.astype(jnp.int32)
    sites = jnp.pad(sites, (0, PAD_SITES - N_SITES), constant_values=jnp.int32(1 << 30))

    mask = _sc_mask(sites).reshape(1, W)

    partial = pl.pallas_call(
        _copy12_kernel,
        grid=(C - 1, H // BH),
        in_specs=[pl.BlockSpec((1, BH, W), lambda c, h: (c + 1, h, 0))],
        out_specs=pl.BlockSpec((1, BH, W), lambda c, h: (c + 1, h, 0)),
        out_shape=jax.ShapeDtypeStruct((C, H, W), jnp.float32),
    )(x)

    out = pl.pallas_call(
        _flip0_kernel,
        grid=(H // BH,),
        in_specs=[
            pl.BlockSpec(memory_space=pl.ANY),
            pl.BlockSpec((1, W), lambda h: (0, 0)),
            pl.BlockSpec((1, BH, W), lambda h: (0, h, 0)),
        ],
        out_specs=pl.BlockSpec((1, BH, W), lambda h: (0, h, 0)),
        out_shape=jax.ShapeDtypeStruct((C, H, W), jnp.float32),
        input_output_aliases={0: 0},
    )(partial, mask, x)
    return out

# --- scband reference (transcript-rebuilt; emitter-appended) ---
"""Pipeline reference for scband-random-repolarization-transform-32246614458695 (READ-ONLY COPY).

The authoritative reference and input builder live on the scoring server;
editing this copy changes nothing except your own understanding.
"""

import jax, jax.numpy as jnp
import numpy as np

C, H, W = 3, 4096, 4096
FRAC_SITES = 0.3  # deterministic draw standing in for rng.uniform(0.1, 0.5)
N_SITES = int(W * FRAC_SITES)  # 1228


def setup_inputs(seed: int = 0) -> dict:
    key = jax.random.key(seed)
    kx, kp = jax.random.split(key)
    x = jax.random.uniform(kx, (C, H, W), dtype=jnp.float32)
    # torch.randperm(W)[:n_sites] -> unique column indices
    mask_sites = jax.random.permutation(kp, W)[:N_SITES].astype(jnp.int64)
    return {"x": x, "mask_sites": mask_sites}


def reference(x, mask_sites):
    # Faithful translation of forward: flip (1 - x) on channel 0 at masked columns.
    # x_copy = clone(x); x_copy[0, :, mask_sites] = 1 - x[0, :, mask_sites]
    flipped = 1.0 - x[0, :, mask_sites]            # gather: (H, n_sites)
    x_copy = x.at[0, :, mask_sites].set(flipped)   # scatter-overwrite
    return x_copy

if __name__ == "__main__":
    import jax
    _d = setup_inputs()
    print(jax.jit(kernel)(*tuple(_d.values())))

</pallas_src>

<mosaic_0001>
#map = affine_map<(d0, d1) -> (0)>
module attributes {stable_mosaic.version = 14 : i64} {
  func.func @_sc_mask_body(%arg0: i32, %arg1: i32, %arg2: memref<1280xi32, #tpu.memory_space<hbm>>, %arg3: memref<4096xf32, #tpu.memory_space<hbm>>, %arg4: memref<1280xi32, #tpu.memory_space<vmem>>, %arg5: memref<4096xf32, #tpu.memory_space<vmem>>) attributes {dimension_semantics = [#tpu.dimension_semantics<core_parallel>, #tpu.dimension_semantics<subcore_parallel>], iteration_bounds = array<i64: 2, 16>, scalar_prefetch = 0 : i64, scratch_operands = 2 : i64, tpu.core_type = #tpu.core_type<sc_vector_subcore>, window_params = [{transform_indices = #map}, {transform_indices = #map}]} {
    %eq3A = arith.constant 0 : i32
    %eq3A_0 = arith.cmpi eq, %arg0, %eq3A : i32
    %eq3A_1 = arith.constant 0 : i32
    %eq3A_2 = arith.cmpi eq, %arg1, %eq3A_1 : i32
    %and3A = arith.andi %eq3A_0, %eq3A_2 : i1
    %convert_element_type3A = arith.extui %and3A : i1 to i32
    %cond3A = arith.constant 0 : i32
    %cond3A_3 = arith.cmpi ne, %convert_element_type3A, %cond3A : i32
    scf.if %cond3A_3 {
      "tpu.region"() ({
        %run_scoped3A = tpu.sem_alloc : memref<!tpu.dma_semaphore, #tpu.memory_space<semaphore_mem>>
        tpu.enqueue_dma source(%arg2 : memref<1280xi32, #tpu.memory_space<hbm>>) target(%arg4 : memref<1280xi32, #tpu.memory_space<vmem>>) target_semaphore(%run_scoped3A : memref<!tpu.dma_semaphore, #tpu.memory_space<semaphore_mem>>)
        tpu.wait_dma2 semaphore(%run_scoped3A : memref<!tpu.dma_semaphore, #tpu.memory_space<semaphore_mem>>) src(%arg2 : memref<1280xi32, #tpu.memory_space<hbm>>) dst(%arg4 : memref<1280xi32, #tpu.memory_space<vmem>>)
        tpu.yield
      }) : () -> ()
      %broadcast_in_dim3A = arith.constant 0.000000e+00 : f32
      %broadcast_in_dim3A_4 = vector.broadcast %broadcast_in_dim3A : f32 to vector<16xf32>
      %scan3A = arith.constant 0 : i32
      %scan3A_5 = arith.constant 0 : i32
      %scan3A_6 = arith.constant 256 : i32
      %scan3A_7 = arith.addi %scan3A_5, %scan3A_6 : i32
      %scan3A_8 = arith.constant 1 : i32
      scf.for %scan3A_18 = %scan3A_5 to %scan3A_7 step %scan3A_8  : i32 {
        %mul3A = arith.constant 16 : i32
        %mul3A_19 = arith.muli %scan3A_18, %mul3A : i32
        %swap3A = arith.index_cast %mul3A_19 : i32 to index
        %swap3A_20 = tpu.vector_load %arg5[%swap3A] {strides = array<i32>} : memref<4096xf32, #tpu.memory_space<vmem>>, vector<16xf32>,
        tpu.vector_store %arg5[%swap3A], %broadcast_in_dim3A_4 {strides = array<i32>} : memref<4096xf32, #tpu.memory_space<vmem>>, vector<16xf32>,
      }
      %scan3A_9 = arith.constant 256 : i32
      %broadcast_in_dim3A_10 = arith.constant 1.000000e+00 : f32
      %broadcast_in_dim3A_11 = vector.broadcast %broadcast_in_dim3A_10 : f32 to vector<16xf32>
      %scan3A_12 = arith.constant 0 : i32
      %scan3A_13 = arith.constant 0 : i32
      %scan3A_14 = arith.constant 80 : i32
      %scan3A_15 = arith.addi %scan3A_13, %scan3A_14 : i32
      %scan3A_16 = arith.constant 1 : i32
      scf.for %scan3A_18 = %scan3A_13 to %scan3A_15 step %scan3A_16  : i32 {
        %mul3A = arith.constant 16 : i32
        %mul3A_19 = arith.muli %scan3A_18, %mul3A : i32
        %get3A = arith.index_cast %mul3A_19 : i32 to index
        %get3A_20 = tpu.vector_load %arg4[%get3A] {strides = array<i32>} : memref<1280xi32, #tpu.memory_space<vmem>>, vector<16xi32>,
        %lt3A = arith.constant 4096 : i32
        %lt3A_21 = vector.broadcast %lt3A : i32 to vector<16xi32>
        %lt3A_22 = arith.cmpi slt, %get3A_20, %lt3A_21 : vector<16xi32>
        tpu.vector_store_idx %arg5[%get3A_20], %broadcast_in_dim3A_11 masked %lt3A_22 : memref<4096xf32, #tpu.memory_space<vmem>>[vector<16xi32>], vector<16xf32>, vector<16xi1>
      }
      %scan3A_17 = arith.constant 80 : i32
      "tpu.region"() ({
        %run_scoped3A = tpu.sem_alloc : memref<!tpu.dma_semaphore, #tpu.memory_space<semaphore_mem>>
        tpu.enqueue_dma source(%arg5 : memref<4096xf32, #tpu.memory_space<vmem>>) target(%arg3 : memref<4096xf32, #tpu.memory_space<hbm>>) target_semaphore(%run_scoped3A : memref<!tpu.dma_semaphore, #tpu.memory_space<semaphore_mem>>)
        tpu.wait_dma2 semaphore(%run_scoped3A : memref<!tpu.dma_semaphore, #tpu.memory_space<semaphore_mem>>) src(%arg5 : memref<4096xf32, #tpu.memory_space<vmem>>) dst(%arg3 : memref<4096xf32, #tpu.memory_space<hbm>>)
        tpu.yield
      }) : () -> ()
    } else {
    }
    return
  }
}

module attributes {stable_mosaic.version = 14 : i64} {
  func.func @_copy12_kernel(%arg0: i32, %arg1: i32, %arg2: memref<1x512x4096xf32, #tpu.memory_space<vmem>>, %arg3: memref<1x512x4096xf32, #tpu.memory_space<vmem>>) attributes {dimension_semantics = [#tpu.dimension_semantics<arbitrary>, #tpu.dimension_semantics<arbitrary>], iteration_bounds = array<i64: 2, 8>, scalar_prefetch = 0 : i64, scratch_operands = 0 : i64, tpu.core_type = #tpu.core_type<tc>, window_params = [{transform_indices = @transform_0, window_bounds = array<i64: 1, 512, 4096>}, {transform_indices = @transform_1, window_bounds = array<i64: 1, 512, 4096>}]} {
    %get3A = arith.constant 0 : index
    %get3A_0 = arith.constant 0 : index
    %get3A_1 = arith.constant 0 : index
    %get3A_2 = vector.load %arg2[%get3A, %get3A_0, %get3A_1] : memref<1x512x4096xf32, #tpu.memory_space<vmem>>, vector<1x512x4096xf32>
    %swap3A = arith.constant 0 : index
    %swap3A_3 = arith.constant 0 : index
    %swap3A_4 = arith.constant 0 : index
    %swap3A_5 = vector.load %arg3[%swap3A, %swap3A_3, %swap3A_4] : memref<1x512x4096xf32, #tpu.memory_space<vmem>>, vector<1x512x4096xf32>
    tpu.vector_store %arg3[%swap3A, %swap3A_3, %swap3A_4], %get3A_2 {strides = array<i32>} : memref<1x512x4096xf32, #tpu.memory_space<vmem>>, vector<1x512x4096xf32>,
    return
  }
  func.func @transform_0(%arg0: i32, %arg1: i32) -> (i32, i32, i32) {
    %add3A = arith.constant 1 : i32
    %add3A_0 = arith.addi %arg0, %add3A : i32
    %c0_i32 = arith.constant 0 : i32
    %c0_i32_1 = arith.constant 0 : i32
    return %add3A_0, %arg1, %c0_i32 : i32, i32, i32
  }
  func.func @transform_1(%arg0: i32, %arg1: i32) -> (i32, i32, i32) {
    %add3A = arith.constant 1 : i32
    %add3A_0 = arith.addi %arg0, %add3A : i32
    %c0_i32 = arith.constant 0 : i32
    %c0_i32_1 = arith.constant 0 : i32
    return %add3A_0, %arg1, %c0_i32 : i32, i32, i32
  }
}

module attributes {stable_mosaic.version = 14 : i64} {
  func.func @_flip0_kernel(%arg0: i32, %arg1: memref<3x4096x4096xf32, #tpu.memory_space<any>>, %arg2: memref<1x4096xf32, #tpu.memory_space<vmem>>, %arg3: memref<1x512x4096xf32, #tpu.memory_space<vmem>>, %arg4: memref<1x512x4096xf32, #tpu.memory_space<vmem>>) attributes {dimension_semantics = [#tpu.dimension_semantics<arbitrary>], iteration_bounds = array<i64: 8>, scalar_prefetch = 0 : i64, scratch_operands = 0 : i64, tpu.core_type = #tpu.core_type<tc>, window_params = [{}, {pipeline_mode = #tpu.pipeline_mode<synchronous>, transform_indices = @transform_1, window_bounds = array<i64: 1, 4096>}, {transform_indices = @transform_2, window_bounds = array<i64: 1, 512, 4096>}, {transform_indices = @transform_3, window_bounds = array<i64: 1, 512, 4096>}]} {
    %get3A = arith.constant 0 : index
    %get3A_0 = arith.constant 0 : index
    %get3A_1 = arith.constant 0 : index
    %get3A_2 = vector.load %arg3[%get3A, %get3A_0, %get3A_1] : memref<1x512x4096xf32, #tpu.memory_space<vmem>>, vector<1x512x4096xf32>
    %get3A_3 = arith.constant 0 : index
    %get3A_4 = arith.constant 0 : index
    %get3A_5 = vector.load %arg2[%get3A_3, %get3A_4] : memref<1x4096xf32, #tpu.memory_space<vmem>>, vector<1x4096xf32>
    %reshape3A = vector.shape_cast %get3A_5 : vector<1x4096xf32> to vector<1x1x4096xf32>
    %gt3A = arith.constant 0.000000e+00 : f32
    %gt3A_6 = vector.broadcast %gt3A : f32 to vector<1x1x4096xf32>
    %gt3A_7 = arith.cmpf ogt, %reshape3A, %gt3A_6 : vector<1x1x4096xf32>
    %sub3A = arith.constant 1.000000e+00 : f32
    %sub3A_8 = vector.broadcast %sub3A : f32 to vector<1x512x4096xf32>
    %sub3A_9 = arith.subf %sub3A_8, %get3A_2 : vector<1x512x4096xf32>
    %broadcast_in_dim3A = vector.shape_cast %gt3A_7 : vector<1x1x4096xi1> to vector<1x1x4096xi1>
    %broadcast_in_dim3A_10 = vector.broadcast %broadcast_in_dim3A : vector<1x1x4096xi1> to vector<1x512x4096xi1>
    %select_n3A = arith.select %broadcast_in_dim3A_10, %sub3A_9, %get3A_2 : vector<1x512x4096xi1>, vector<1x512x4096xf32>
    %swap3A = arith.constant 0 : index
    %swap3A_11 = arith.constant 0 : index
    %swap3A_12 = arith.constant 0 : index
    %swap3A_13 = vector.load %arg4[%swap3A, %swap3A_11, %swap3A_12] : memref<1x512x4096xf32, #tpu.memory_space<vmem>>, vector<1x512x4096xf32>
    tpu.vector_store %arg4[%swap3A, %swap3A_11, %swap3A_12], %select_n3A {strides = array<i32>} : memref<1x512x4096xf32, #tpu.memory_space<vmem>>, vector<1x512x4096xf32>,
    return
  }
  func.func @transform_1(%arg0: i32) -> (i32, i32) {
    %c0_i32 = arith.constant 0 : i32
    %c0_i32_0 = arith.constant 0 : i32
    %c0_i32_1 = arith.constant 0 : i32
    return %c0_i32, %c0_i32_0 : i32, i32
  }
  func.func @transform_2(%arg0: i32) -> (i32, i32, i32) {
    %c0_i32 = arith.constant 0 : i32
    %c0_i32_0 = arith.constant 0 : i32
    %c0_i32_1 = arith.constant 0 : i32
    return %c0_i32, %arg0, %c0_i32_0 : i32, i32, i32
  }
  func.func @transform_3(%arg0: i32) -> (i32, i32, i32) {
    %c0_i32 = arith.constant 0 : i32
    %c0_i32_0 = arith.constant 0 : i32
    %c0_i32_1 = arith.constant 0 : i32
    return %c0_i32, %arg0, %c0_i32_0 : i32, i32, i32
  }
}

</mosaic_0001>

<sc_bundles>
// kernel: kernel.5.cloned.1.call-start
scs
__scs_entry_jumppad:
0x0: {  	(pc) =	sbr.rel $0x88, $3  }
0x1: {  	(tag) =	ssettag $0x0;
	lr =	simm.s32 $0x1  }
0x2: {  	[smem:$0x3F9F] =	sst lr;
	_ =	strace $0xD0000000  }
0x3: {  	_ = 	snop  }
0x4: {  	_ = 	snop  }
0x5: {  	_ = 	snop  }
0x6: {  	_ = 	snop  }
0x7: {  	_ = 	snop  }
__scs_overlays_trampoline_lowered:
0x8: {  	[smem:$0x3FAE] =	sst s0  }
0x9: {  	[smem:$0x3FAF] =	sst s1  }
0xa: {  	[smem:$0x3FB0] =	sst s2  }
0xb: {  	[smem:$0x3FB1] =	sst s3  }
0xc: {  	[smem:$0x3FB2] =	sst s4  }
0xd: {  	[smem:$0x3FB3] =	sst s5  }
0xe: {  	[smem:$0x3FB4] =	sst s6  }
0xf: {  	[smem:$0x3FB5] =	sst s7  }
0x10: {  	[smem:$0x3FB6] =	sst s8  }
0x11: {  	[smem:$0x3FB7] =	sst s9;
	s0 =	simm.s32 @!p0 $0x0  }
0x12: {  	s1 =	sld [smem:$0x3F9D];
	s0 =	simm.s32 @p0 $0x1  }
0x13: {  	[smem:$0x3FB8] =	sst s0;
	s0 =	simm.s32 @!p1 $0x0  }
0x14: {  	s2 =	sld [smem:$0x3F9C];
	s0 =	simm.s32 @p1 $0x1  }
0x15: {  	[smem:$0x3FB9] =	sst s0;
	s0 =	simm.s32 @!p2 $0x0  }
0x16: {  	s3 =	sld [smem:$0x3FDB];
	s0 =	simm.s32 @p2 $0x1  }
0x17: {  	s4 =	simm.s32 $0x1BF5;
	[smem:$0x3FBB] =	sst s0  }
0x18: {  	s0 =	sld [smem:$0x3F9E];
	_ =	swait.ge [sflag:s4], $0x0  }
0x19: {  	s7 =	sld [smem:$0x3F9F]  }
0x1a: {  	s8 =	sadd.s32 $0xFFFFE003, lr  }
0x1b: {  	s9 =	sadd.s32 $0xFFFFFEF7, lr;
	s5 =	simm.s32 $0xFFFFFFFF;
	p2 =	slt.u32 s8, $0xFFFFF086  }
0x1c: {  	p1 =	slt.u32 s9, $0xF7A;
	s5 =	simm.s32 @!p2 $0x0  }
0x1d: {  	s5 =	simm.s32 @p1 $0x1;
	p0 =	seq.s32 s7, s2  }
0x1e: {  	s7 =	smul.u32 @!p0 $0xF7A, s2;
	p2 =	seq.s32 @!p0 s5, $0x0  }
0x1f: {  	s9 =	smul.u32 $0xF7A, s1;
	s8 =	simm.s32 @!p0 $0x1BF5;
	p2 =	por !p2, p0  }
0x20: {  	[sflag:s8] =	ssyncset.s32 @!p0 $0xFFFFF086;
	s6 =	sadd.s32 @!p0 s3, s7;
	s7 =	simm.s32 @!p0 $0x108  }
0x21: {  	s3 =	sadd.s32 s3, s9;
	s6 =	sadd.s32 @!p0 $0x88, s6;
	s7 =	simm.s32 @p2 $0x1082  }
0x22: {  	[simem:s7], [sflag:s8] =	dma.local @!p0 [hbm:s6], $0xF7A  }
0x23: {  	s9 =	sor.u32 $0xD0000000, s2;
	s6 =	simm.s32 $0x108;
	_ =	swait.ge @!p0 [sflag:s8], $0x0  }
0x24: {  	s3 =	sadd.s32 $0x88, s3;
	s6 =	simm.s32 @!p1 $0x1082;
	[sflag:s4] =	ssyncset.s32 $0xFFFFF086  }
0x25: {  	[simem:s6], [sflag:s4] =	dma.local [hbm:s3], $0xF7A  }
0x26: {  	[smem:$0x3F9F] =	sst s1;
	(tag) =	ssettag s2;
	_ =	strace s9  }
0x27: {  	s1 =	sld [smem:$0x3FAF]  }
0x28: {  	s2 =	sld [smem:$0x3FB0]  }
0x29: {  	s4 =	sld [smem:$0x3FB2]  }
0x2a: {  	p0 =	seq.s32 s5, $0x0;
	s5 =	sld [smem:$0x3FB3]  }
0x2b: {  	s6 =	sld [smem:$0x3FB4]  }
0x2c: {  	s7 =	sld [smem:$0x3FB5]  }
0x2d: {  	s3 =	simm.s32 $0x108;
	s8 =	sld [smem:$0x3FB6]  }
0x2e: {  	s3 =	simm.s32 @!p0 $0x1082;
	s9 =	sld [smem:$0x3FB7]  }
0x2f: {  	lr =	sadd.s32 s0, s3;
	s0 =	sld [smem:$0x3FAE]  }
0x30: {  	s3 =	sld [smem:$0x3FB1]  }
0x31: {  	[smem:$0x3FBA] =	sst s10  }
0x32: {  	s10 =	sld [smem:$0x3FB8];
	_ =	sdelay $0x3  }
0x33: {  	p0 =	seq.s32 s10, $0x1;
	s10 =	sld [smem:$0x3FBA];
	_ =	sdelay $0x3  }
0x34: {  	[smem:$0x3FBA] =	sst s10  }
0x35: {  	s10 =	sld [smem:$0x3FB9];
	_ =	sdelay $0x3  }
0x36: {  	p1 =	seq.s32 s10, $0x1;
	s10 =	sld [smem:$0x3FBA];
	_ =	sdelay $0x3  }
0x37: {  	[smem:$0x3FBA] =	sst s10  }
0x38: {  	s10 =	sld [smem:$0x3FBB]  }
0x39: {  	_ = 	snop;
	(pc) =	sbr.ind lr, $3  }
0x3a: {  	_ = 	snop  }
0x3b: {  	_ = 	snop  }
0x3c: {  	p2 =	seq.s32 s10, $0x1;
	s10 =	sld [smem:$0x3FBA]  }
0x3d: {  	_ =	shalt  }
0x3e: {  	_ =	shalt  }
0x3f: {  	_ =	shalt  }
0x40: {  	_ =	shalt  }
0x41: {  	_ =	shalt  }
0x42: {  	_ =	shalt  }
0x43: {  	_ =	shalt  }
0x44: {  	_ =	shalt  }
0x45: {  	_ =	shalt  }
0x46: {  	_ =	shalt  }
0x47: {  	_ =	shalt  }
0x48: {  	_ =	shalt  }
0x49: {  	_ =	shalt  }
0x4a: {  	_ =	shalt  }
0x4b: {  	_ =	shalt  }
0x4c: {  	_ =	shalt  }
0x4d: {  	_ =	shalt  }
0x4e: {  	_ =	shalt  }
0x4f: {  	_ =	shalt  }
0x50: {  	_ =	shalt  }
0x51: {  	_ =	shalt  }
0x52: {  	_ =	shalt  }
0x53: {  	_ =	shalt  }
0x54: {  	_ =	shalt  }
0x55: {  	_ =	shalt  }
0x56: {  	_ =	shalt  }
0x57: {  	_ =	shalt  }
0x58: {  	_ =	shalt  }
0x59: {  	_ =	shalt  }
0x5a: {  	_ =	shalt  }
0x5b: {  	_ =	shalt  }
0x5c: {  	_ =	shalt  }
0x5d: {  	_ =	shalt  }
0x5e: {  	_ =	shalt  }
0x5f: {  	_ =	shalt  }
0x60: {  	_ =	shalt  }
0x61: {  	_ =	shalt  }
0x62: {  	_ =	shalt  }
0x63: {  	_ =	shalt  }
0x64: {  	_ =	shalt  }
0x65: {  	_ =	shalt  }
0x66: {  	_ =	shalt  }
0x67: {  	_ =	shalt  }
0x68: {  	_ =	shalt  }
0x69: {  	_ =	shalt  }
0x6a: {  	_ =	shalt  }
0x6b: {  	_ =	shalt  }
0x6c: {  	_ =	shalt  }
0x6d: {  	_ =	shalt  }
0x6e: {  	_ =	shalt  }
0x6f: {  	_ =	shalt  }
0x70: {  	_ =	shalt  }
0x71: {  	_ =	shalt  }
0x72: {  	_ =	shalt  }
0x73: {  	_ =	shalt  }
0x74: {  	_ =	shalt  }
0x75: {  	_ =	shalt  }
0x76: {  	_ =	shalt  }
0x77: {  	_ =	shalt  }
0x78: {  	_ =	shalt  }
0x79: {  	_ =	shalt  }
0x7a: {  	_ =	shalt  }
0x7b: {  	_ =	shalt  }
0x7c: {  	_ =	shalt  }
0x7d: {  	_ =	shalt  }
0x7e: {  	_ =	shalt  }
0x7f: {  	_ =	shalt  }
0x80: {  	_ =	shalt  }
0x81: {  	_ =	shalt  }
0x82: {  	_ =	shalt  }
0x83: {  	_ =	shalt  }
0x84: {  	_ =	shalt  }
0x85: {  	_ =	shalt  }
0x86: {  	_ =	shalt  }
0x87: {  	_ =	shalt  }
.Lfunc_end0:
.L_simem_size_0:
called_computation_lowered:
.L_overlay_start_0:
0x88: {  	s2 =	sld [smem:$0x3FD9]  }
0x89: {  	s3 =	sld [smem:$0x3FFE];
	_ =	sdelay $0x1  }
0x8a: {  	s1 =	srdreg.scid  }
0x8b: {  	s0 =	sand.u32 $0x1, s1  }
0x8c: {  	s16 =	sshll.u32 s0, $0xA;
	s2 =	sadd.s32 s3, s2  }
0x8d: {  	s2 =	sadd.s32 s2, s16  }
0x8e: {  	[smem:$0x3FC6] =	sst s2  }
0x8f: {  	_ = 	snop  }
0x90: {  	(tm) =	ssettm $0x1  }
0x91: {  	s17 =	sld [smem:$0x3FFB];
	_ =	sdelay $0x3  }
0x92: {  	_ =	strace s17  }
0x93: {  	s2 =	sld [smem:$0x3FFC];
	_ =	sdelay $0x3  }
0x94: {  	_ =	strace s2  }
0x95: {  	s2 =	sld [smem:$0x3FFD];
	_ =	sdelay $0x3  }
0x96: {  	_ =	strace s2  }
0x97: {  	_ =	strace $0x8FFFFFFF  }
0x98: {  	s18 =	sld [smem:$0x3FDB];
	_ =	sdelay $0x1  }
0x99: {  	s19 =	simm.s32 $_scs_section_size  }
0x9a: {  	s4 =	simm.s32 $_size__tile_overlayer_lowered;
	s5 =	simm.s32 $_tile_overlayer_lowered  }
0x9b: {  	s22 =	simm.s32 $0x1BFF;
	s21 =	sshll.u32 s5, $0x1;
	s2 =	sadd.s32 s19, s18  }
0x9c: {  	s6 =	simm.s32 $0x0;
	s20 =	sshll.u32 s4, $0x1;
	s4 =	sadd.s32 s21, s2  }
0x9d: {  	[timem:s6], [sflag:s22] =	dma.local [hbm:s4], s20  }
0x9e: {  	_ =	swait.ge [sflag:s22], s20  }
0x9f: {  	s3 =	ssub.s32 $0x0, s20;
	[sflag:s22] =	ssyncset.done $0x0  }
0xa0: {  	[sflag:s22] =	ssyncadd.s32 s3;
	_ =	sdelay $0x1  }
0xa1: {  	s23 =	simm.s32 $0x1B8B  }
0xa2: {  	_ =	swait.ge [sflag:s23], $0x1  }
0xa3: {  	[sflag:s23] =	ssyncset.done $0x0  }
0xa4: {  	s25 =	simm.s32 $0x1B8E;
	s24 =	sld [smem:$0x3FFE];
	[sflag:s23] =	ssyncadd.s32 $0xFFFFFFFF  }
0xa5: {  	s26 =	simm.s32 $execute0_lowered;
	[smem:$0x3FD2] =	sst s25  }
0xa6: {  	s4 =	sshll.u32 s26, $0x1;
	_ =	strace $0x80000046;
	[dreg:$0x1] =	wrdreg $0xFFFFFFFF  }
0xa7: {  	s28 =	simm.s32 $_size_execute0_lowered;
	s2 =	sadd.s32 s2, s4;
	[dreg:$0x0] =	wrdreg $0x0  }
0xa8: {  	s4 =	sshll.u32 s28, $0x1;
	[dreg:$0x2] =	wrdreg s2  }
0xa9: {  	[dreg:$0x3] =	wrdreg s4  }
0xaa: {  	[dreg:$0x4] =	wrdreg $0xC0  }
0xab: {  	_ =	task [dreg:s6], $0x5FFFF  }
0xac: {  	[dreg:$0x1] =	wrdreg $0xFFFFFFFF  }
0xad: {  	[dreg:$0x0] =	wrdreg $0x60  }
0xae: {  	[dreg:$0x2] =	wrdreg s24  }
0xaf: {  	[dreg:$0x3] =	wrdreg $0x9  }
0xb0: {  	_ =	task.clear_ibuf [dreg:s6], $0x4FFFF;
	_ =	strace $0x90000046  }
0xb1: {  	s29 =	simm.s32 $0x9;
	_ =	strace $0x80000048  }
0xb2: {  	_ =	swait.ge [sflag:s29], $0x1  }
0xb3: {  	[sflag:s29] =	ssyncadd.s32 $0xFFFFFFFF  }
0xb4: {  	_ =	strace $0x90000048  }
0xb5: {  	_ =	sfence  }
0xb6: {  	s30 =	sld [smem:$0x0];
	_ =	sdelay $0x2  }
0xb7: {  	s31 =	sshll.u32 s1, $0xD;
	s1 =	sshrl.u32 s1, $0x2  }
0xb8: {  	s3 =	sand.u32 $0x4000, s31;
	s1 =	sadd.s32 s1, s30  }
0xb9: {  	s0 =	sor.u32 s3, s0;
	s1 =	sshll.u32 s1, $0x11  }
0xba: {  	s0 =	sor.u32 s1, s0  }
0xbb: {  	s0 =	sadd.s32 $0x8F2B, s0  }
0xbc: {  	[sflag:s0] =	ssyncadd.remote.s32 $0x1  }
0xbd: {  	_ =	sfence.sel $0xFFFF  }
0xbe: {  	[dreg:$0x0] =	wrdreg $0xFFFFFFFF;
	(pc) =	sbr.abs _section_cstart, $3  }
0xbf: {  	[dreg:$0x1] =	wrdreg $0xFFFFFFFF  }
0xc0: {  	_ =	task.clear_ibuf [dreg:s6], $0x2FFFF;
	_ =	strace $0x9FFFFFFF  }
0xc1: {  	(tm) =	ssettm $0x7FFFFFFF  }
tec
execute0_lowered:
.L_overlay_start_1:
0x0: {  	(tag) =	ssettag $0x1  }
0x1: {  	s0 =	srdreg.scid  }
0x2: {  	s2 =	sand.u32 $0x1, s0;
	s0 =	stileid.u32  }
0x3: {  	s4 =	sor.u32 s0, s2  }
0x4: {  	p0 =	sne.s32 s4, $0x0  }
.Ltmp0:
0x5: {  	_ = 	snop;
	(pc) =	sbr.rel @p0 .LBB2_7-.Ltmp0, $3  }
0x6: {  	_ =	sdelay $0x1  }
0x7: {  	s3 =	rddreg [dreg:$0x0]  }
0x8: {  	s1 =	rddreg [dreg:$0x1];
	_ =	strace $0x80000047  }
0x9: {  	s4 =	ssub.s32 $0x2, s2;
	s2 =	sadd.s32 $0x600, s3;
	s3 =	sadd.s32 $0x800, s3  }
0xa: {  	s6 =	simm.s32 $0x1;
	s7 =	simm.s32 $0x500;
	s5 =	sshrl.u32 s4, $0x1  }
0xb: {  	v0 =	vimm.f32 $0.0e+00;
	v1 =	vimm.f32 $1.000000000e+00;
	s8 =	simm.s32 $0x0;
	s4 =	ssub.s32 s4, s5;
	s5 =	simm.s32 $0x0  }
.LBB2_2:
0xc: {  	[tilespmem:s5], [sflag:$0x1] =	stream.linear.gather [hbm4b:s2+s5], $0x500, $0x38;
	[tilespmem:$0x1500] =	vst v63  }
0xd: {  	_ =	swait.ge [sflag:s6], $0x500  }
0xe: {  	[sflag:s6] =	ssyncset.done $0x0  }
0xf: {  	s9 =	simm.s32 $0x0;
	[sflag:s6] =	ssyncadd.s32 $0xFFFFFB00  }
.LBB2_3:
0x10: {  	p0 =	sne.s32 s9, $0x3FC0  }
.Ltmp1:
0x11: {  	_ = 	snop;
	(pc) =	sbr.rel @p0 .LBB2_3-.Ltmp1, $3  }
0x12: {  	_ =	sdelay $0x1  }
0x13: {  	s10 =	sshra.s32 s9, $0x2  }
0x14: {  	s9 =	sadd.s32 $0x40, s9;
	[tilespmem:s10+$0x500] =	vst v0  }
0x15: {  	s10 =	simm.s32 $0x0;
	s9 =	simm.s32 $0x40  }
.LBB2_5:
0x16: {  	p0 =	sne.s32 s9, $0x13C0;
	v2 =	vld [tilespmem:s10+$0x0];
	_ =	sdelay $0x4  }
0x17: {  	vm0 =	vlt.s32 v2, $0x1000;
	_ =	sdelay $0x1  }
.Ltmp2:
0x18: {  	(pc) =	sbr.rel @p0 .LBB2_5-.Ltmp2, $2  }
0x19: {  	_ =	sdelay $0x2  }
0x1a: {  	s10 =	sshra.s32 s9, $0x2;
	s9 =	sadd.s32 $0x40, s9;
	[tilespmem:v2+s7+$0x0] =	vst.idx.msk vm0, v1  }
0x1b: {  	v2 =	vld [tilespmem:s10+$0x0];
	_ =	sdelay $0x4  }
0x1c: {  	vm0 =	vlt.s32 v2, $0x1000;
	_ =	sdelay $0x3  }
0x1d: {  	s8 =	sadd.s32 $0x1, s8  }
0x1e: {  	p0 =	sne.s32 s8, s4  }
.Ltmp3:
0x1f: {  	[tilespmem:v2+s7+$0x0] =	vst.idx.msk vm0, v1;
	(pc) =	sbr.rel @p0 .LBB2_2-.Ltmp3, $4  }
0x20: {  	[hbm4b:s3+s5] =	stream.linear.scatter [tilespmem:s7], [sflag:$0x1], $0x1000, $0x38;
	[tilespmem:$0x1500] =	vst v63  }
0x21: {  	_ =	swait.ge [sflag:s6], $0x1000  }
0x22: {  	[sflag:s6] =	ssyncset.done $0x0  }
0x23: {  	[sflag:s6] =	ssyncadd.s32 $0xFFFFF000  }
.LBB2_7:
0x24: {  	_ =	sfence.sel $0x180000  }
0x25: {  	[bflag:$0x0] =	sbarrier.arrive $0xFFFF  }
0x26: {  	p0 =	sne.s32 s0, $0x0;
	_ =	strace $0x90000047  }
0x27: {  	s0 =	sadd.s32 @!p0 $0x100000, s1;
	[bflag:$0x2] =	sbarrier.arrive $0xFFFF  }
0x28: {  	[sflag:s0] =	ssyncadd.tile.s32 @!p0 $0x1;
	_ =	shalt  }
.Lfunc_end2:
_tile_overlayer_lowered:
.L_overlay_start_2:
0x29: {  	(tag) =	ssettag $0x2  }
0x2a: {  	s0 =	rddreg [dreg:$0x0];
	s2 =	stileid.u32  }
0x2b: {  	s1 =	rddreg [dreg:$0x1];
	p0 =	sne.s32 s2, $0x0  }
0x2c: {  	s3 =	rddreg [dreg:$0x2];
	[bflag:$0x3] =	sbarrier.arrive $0xFFFF;
	s2 =	simm.s32 @!p0 $0x1C01  }
0x2d: {  	[timem:s3], [sflag:s2] =	dma.local @!p0 [hbm:s0], s1  }
0x2e: {  	s0 =	simm.s32 @!p0 $0x1  }
0x2f: {  	_ =	swait.ge @!p0 [sflag:s0], s1  }
0x30: {  	s1 =	ssub.s32 @!p0 $0x0, s1;
	[sflag:s0] =	ssyncset.done @!p0 $0x0  }
0x31: {  	[sflag:s0] =	ssyncadd.s32 @!p0 s1  }
0x32: {  	[bflag:$0x3] =	sbarrier.arrive $0xFFFF  }
0x33: {  	_ =	shalt  }

</sc_bundles>
